<compile_context>
chip_gen: v7x
topology: tpu7x:2x2x1
jax: 0.10.2.dev20260603
libtpu: 0.0.44.dev20260713+nightly
codegen_flags: <defaults>
</compile_context>

<pallas_src>
import functools

import jax
import jax.numpy as jnp
from jax import lax
from jax.experimental import pallas as pl
from jax.experimental.pallas import tpu as pltpu
from jax.experimental.pallas import tpu_sc as plsc

N, H, W = 16, 224, 224
C = 96
P = H * W
L = 16
NC, NS = 2, 16
NW = NC * NS

HSC = 32
PSC = HSC * W
TP = PSC // NW
CHUNKS = TP // L
HBT = 112
HBT_B = 32


def _make_sc():
    mesh = plsc.VectorSubcoreMesh(core_axis_name="c", subcore_axis_name="s")

    @functools.partial(
        pl.kernel,
        mesh=mesh,
        compiler_params=pltpu.CompilerParams(
            use_tc_tiling_on_sc=False, needs_layout_passes=False
        ),
        out_type=jax.ShapeDtypeStruct((C, PSC), jnp.float32),
        scratch_types=[
            pltpu.VMEM((TP,), jnp.int32),
            pltpu.VMEM((C, TP), jnp.float32),
        ],
    )
    def k(x_hbm, out_hbm, x_v, oh):
        wid = lax.axis_index("s") * NC + lax.axis_index("c")
        p_base = wid * TP

        zeros = jnp.zeros((L,), jnp.float32)
        ones = jnp.ones((L,), jnp.float32)
        lane = lax.broadcasted_iota(jnp.int32, (L,), 0)

        pltpu.sync_copy(x_hbm.at[pl.ds(p_base, TP)], x_v)

        def zbody(c, carry):
            for j in range(CHUNKS):
                oh[c, pl.ds(j * L, L)] = zeros
            return carry

        lax.fori_loop(0, C, zbody, 0)

        for j in range(CHUNKS):
            vals = x_v[pl.ds(j * L, L)]
            plsc.store_scatter(oh, [vals, lane + j * L], ones)

        pltpu.sync_copy(oh, out_hbm.at[:, pl.ds(p_base, TP)])

    return k


_sc_onehot = _make_sc()


def _tc_body(x_ref, o_ref):
    x = x_ref[0]
    cio = lax.broadcasted_iota(jnp.int32, (C, HBT, W), 0)
    o_ref[0] = jnp.where(cio == x[None], 1.0, 0.0).astype(jnp.float32)


def _tc_onehot_a(x):
    return pl.pallas_call(
        _tc_body,
        grid=(N - 1, H // HBT),
        in_specs=[pl.BlockSpec((1, HBT, W), lambda i, j: (i + 1, j, 0))],
        out_specs=pl.BlockSpec(
            (1, C, HBT, W), lambda i, j: (i + 1, 0, j, 0)
        ),
        out_shape=jax.ShapeDtypeStruct((N, C, H, W), jnp.float32),
    )(x)


def _tc_body_b(x_ref, buf_ref, o_ref):
    del buf_ref
    x = x_ref[0]
    cio = lax.broadcasted_iota(jnp.int32, (C, HBT_B, W), 0)
    o_ref[0] = jnp.where(cio == x[None], 1.0, 0.0).astype(jnp.float32)


def _tc_onehot_b(x, buf):
    return pl.pallas_call(
        _tc_body_b,
        grid=(1, (H - HSC) // HBT_B),
        in_specs=[
            pl.BlockSpec((1, HBT_B, W), lambda i, j: (0, j + 1, 0)),
            pl.BlockSpec(memory_space=pl.ANY),
        ],
        out_specs=pl.BlockSpec(
            (1, C, HBT_B, W), lambda i, j: (0, 0, j + 1, 0)
        ),
        out_shape=jax.ShapeDtypeStruct((N, C, H, W), jnp.float32),
        input_output_aliases={1: 0},
    )(x, buf)


def kernel(x):
    sc = _sc_onehot(x.reshape(N * P)[:PSC]).reshape(1, C, HSC, W)
    tc = _tc_onehot_b(x, _tc_onehot_a(x))
    return lax.dynamic_update_slice(tc, sc, (0, 0, 0, 0))

# --- scband reference (transcript-rebuilt; emitter-appended) ---
"""Pipeline reference for scband-onehot-encoding-72275709657620 (READ-ONLY COPY).

The authoritative reference and input builder live on the scoring server;
editing this copy changes nothing except your own understanding.
"""

import jax, jax.numpy as jnp
import numpy as np

MAX_VALUE = 96

def setup_inputs(seed: int = 0) -> dict:
    key = jax.random.key(seed)
    x = jax.random.randint(key, (16, 224, 224), 0, MAX_VALUE, dtype=jnp.int32)
    return {"x": x}

def reference(x):
    # F.one_hot(x, max_value) -> [N, H, W, max_value]
    oh = jax.nn.one_hot(x.astype(jnp.int32), MAX_VALUE, dtype=jnp.float32)
    # permute(0, 3, 1, 2) -> [N, max_value, H, W]
    return jnp.transpose(oh, (0, 3, 1, 2))

if __name__ == "__main__":
    import jax
    _d = setup_inputs()
    print(jax.jit(kernel)(*tuple(_d.values())))

</pallas_src>

<mosaic_0001>
#map = affine_map<(d0, d1) -> (0)>
#map1 = affine_map<(d0, d1) -> (0, 0)>
module attributes {stable_mosaic.version = 14 : i64} {
  func.func @k(%arg0: i32, %arg1: i32, %arg2: memref<7168xi32, #tpu.memory_space<hbm>>, %arg3: memref<96x7168xf32, #tpu.memory_space<hbm>>, %arg4: memref<224xi32, #tpu.memory_space<vmem>>, %arg5: memref<96x224xf32, #tpu.memory_space<vmem>>) attributes {dimension_semantics = [#tpu.dimension_semantics<core_parallel>, #tpu.dimension_semantics<subcore_parallel>], iteration_bounds = array<i64: 2, 16>, scalar_prefetch = 0 : i64, scratch_operands = 2 : i64, tpu.core_type = #tpu.core_type<sc_vector_subcore>, window_params = [{transform_indices = #map}, {transform_indices = #map1}]} {
    %mul3A = arith.constant 2 : i32
    %mul3A_0 = arith.muli %arg1, %mul3A : i32
    %add3A = arith.addi %mul3A_0, %arg0 : i32
    %mul3A_1 = arith.constant 224 : i32
    %mul3A_2 = arith.muli %add3A, %mul3A_1 : i32
    %broadcast_in_dim3A = arith.constant 0.000000e+00 : f32
    %broadcast_in_dim3A_3 = vector.broadcast %broadcast_in_dim3A : f32 to vector<16xf32>
    %broadcast_in_dim3A_4 = arith.constant 1.000000e+00 : f32
    %broadcast_in_dim3A_5 = vector.broadcast %broadcast_in_dim3A_4 : f32 to vector<16xf32>
    %iota3A = tpu.iota {dimensions = array<i32: 0>} : vector<16xi32>
    "tpu.region"() ({
      %run_scoped3A = tpu.sem_alloc : memref<!tpu.dma_semaphore, #tpu.memory_space<semaphore_mem>>
      %dma_start3A = tpu.memref_slice %arg2[%mul3A_2] : memref<7168xi32, #tpu.memory_space<hbm>> -> memref<224xi32, #tpu.memory_space<hbm>>
      %dma_start3A_80 = tpu.memref_slice %arg2[%mul3A_2] : memref<7168xi32, #tpu.memory_space<hbm>> -> memref<224xi32, #tpu.memory_space<hbm>>
      tpu.enqueue_dma source(%dma_start3A_80 : memref<224xi32, #tpu.memory_space<hbm>>) target(%arg4 : memref<224xi32, #tpu.memory_space<vmem>>) target_semaphore(%run_scoped3A : memref<!tpu.dma_semaphore, #tpu.memory_space<semaphore_mem>>)
      %dma_wait3A = tpu.memref_slice %arg2[%mul3A_2] : memref<7168xi32, #tpu.memory_space<hbm>> -> memref<224xi32, #tpu.memory_space<hbm>>
      %dma_wait3A_81 = tpu.memref_slice %arg2[%mul3A_2] : memref<7168xi32, #tpu.memory_space<hbm>> -> memref<224xi32, #tpu.memory_space<hbm>>
      tpu.wait_dma2 semaphore(%run_scoped3A : memref<!tpu.dma_semaphore, #tpu.memory_space<semaphore_mem>>) src(%dma_wait3A_81 : memref<224xi32, #tpu.memory_space<hbm>>) dst(%arg4 : memref<224xi32, #tpu.memory_space<vmem>>)
      tpu.yield
    }) : () -> ()
    %scan3A = arith.constant 0 : i32
    %scan3A_6 = arith.constant 0 : i32
    %scan3A_7 = arith.constant 96 : i32
    %scan3A_8 = arith.addi %scan3A_6, %scan3A_7 : i32
    %scan3A_9 = arith.constant 1 : i32
    scf.for %scan3A_80 = %scan3A_6 to %scan3A_8 step %scan3A_9  : i32 {
      %swap3A = arith.index_cast %scan3A_80 : i32 to index
      %swap3A_81 = arith.constant 0 : index
      %swap3A_82 = tpu.vector_load %arg5[%swap3A, %swap3A_81] {strides = array<i32>} : memref<96x224xf32, #tpu.memory_space<vmem>>, vector<16xf32>,
      tpu.vector_store %arg5[%swap3A, %swap3A_81], %broadcast_in_dim3A_3 {strides = array<i32>} : memref<96x224xf32, #tpu.memory_space<vmem>>, vector<16xf32>,
      %swap3A_83 = arith.index_cast %scan3A_80 : i32 to index
      %swap3A_84 = arith.constant 16 : index
      %swap3A_85 = tpu.vector_load %arg5[%swap3A_83, %swap3A_84] {strides = array<i32>} : memref<96x224xf32, #tpu.memory_space<vmem>>, vector<16xf32>,
      tpu.vector_store %arg5[%swap3A_83, %swap3A_84], %broadcast_in_dim3A_3 {strides = array<i32>} : memref<96x224xf32, #tpu.memory_space<vmem>>, vector<16xf32>,
      %swap3A_86 = arith.index_cast %scan3A_80 : i32 to index
      %swap3A_87 = arith.constant 32 : index
      %swap3A_88 = tpu.vector_load %arg5[%swap3A_86, %swap3A_87] {strides = array<i32>} : memref<96x224xf32, #tpu.memory_space<vmem>>, vector<16xf32>,
      tpu.vector_store %arg5[%swap3A_86, %swap3A_87], %broadcast_in_dim3A_3 {strides = array<i32>} : memref<96x224xf32, #tpu.memory_space<vmem>>, vector<16xf32>,
      %swap3A_89 = arith.index_cast %scan3A_80 : i32 to index
      %swap3A_90 = arith.constant 48 : index
      %swap3A_91 = tpu.vector_load %arg5[%swap3A_89, %swap3A_90] {strides = array<i32>} : memref<96x224xf32, #tpu.memory_space<vmem>>, vector<16xf32>,
      tpu.vector_store %arg5[%swap3A_89, %swap3A_90], %broadcast_in_dim3A_3 {strides = array<i32>} : memref<96x224xf32, #tpu.memory_space<vmem>>, vector<16xf32>,
      %swap3A_92 = arith.index_cast %scan3A_80 : i32 to index
      %swap3A_93 = arith.constant 64 : index
      %swap3A_94 = tpu.vector_load %arg5[%swap3A_92, %swap3A_93] {strides = array<i32>} : memref<96x224xf32, #tpu.memory_space<vmem>>, vector<16xf32>,
      tpu.vector_store %arg5[%swap3A_92, %swap3A_93], %broadcast_in_dim3A_3 {strides = array<i32>} : memref<96x224xf32, #tpu.memory_space<vmem>>, vector<16xf32>,
      %swap3A_95 = arith.index_cast %scan3A_80 : i32 to index
      %swap3A_96 = arith.constant 80 : index
      %swap3A_97 = tpu.vector_load %arg5[%swap3A_95, %swap3A_96] {strides = array<i32>} : memref<96x224xf32, #tpu.memory_space<vmem>>, vector<16xf32>,
      tpu.vector_store %arg5[%swap3A_95, %swap3A_96], %broadcast_in_dim3A_3 {strides = array<i32>} : memref<96x224xf32, #tpu.memory_space<vmem>>, vector<16xf32>,
      %swap3A_98 = arith.index_cast %scan3A_80 : i32 to index
      %swap3A_99 = arith.constant 96 : index
      %swap3A_100 = tpu.vector_load %arg5[%swap3A_98, %swap3A_99] {strides = array<i32>} : memref<96x224xf32, #tpu.memory_space<vmem>>, vector<16xf32>,
      tpu.vector_store %arg5[%swap3A_98, %swap3A_99], %broadcast_in_dim3A_3 {strides = array<i32>} : memref<96x224xf32, #tpu.memory_space<vmem>>, vector<16xf32>,
      %swap3A_101 = arith.index_cast %scan3A_80 : i32 to index
      %swap3A_102 = arith.constant 112 : index
      %swap3A_103 = tpu.vector_load %arg5[%swap3A_101, %swap3A_102] {strides = array<i32>} : memref<96x224xf32, #tpu.memory_space<vmem>>, vector<16xf32>,
      tpu.vector_store %arg5[%swap3A_101, %swap3A_102], %broadcast_in_dim3A_3 {strides = array<i32>} : memref<96x224xf32, #tpu.memory_space<vmem>>, vector<16xf32>,
      %swap3A_104 = arith.index_cast %scan3A_80 : i32 to index
      %swap3A_105 = arith.constant 128 : index
      %swap3A_106 = tpu.vector_load %arg5[%swap3A_104, %swap3A_105] {strides = array<i32>} : memref<96x224xf32, #tpu.memory_space<vmem>>, vector<16xf32>,
      tpu.vector_store %arg5[%swap3A_104, %swap3A_105], %broadcast_in_dim3A_3 {strides = array<i32>} : memref<96x224xf32, #tpu.memory_space<vmem>>, vector<16xf32>,
      %swap3A_107 = arith.index_cast %scan3A_80 : i32 to index
      %swap3A_108 = arith.constant 144 : index
      %swap3A_109 = tpu.vector_load %arg5[%swap3A_107, %swap3A_108] {strides = array<i32>} : memref<96x224xf32, #tpu.memory_space<vmem>>, vector<16xf32>,
      tpu.vector_store %arg5[%swap3A_107, %swap3A_108], %broadcast_in_dim3A_3 {strides = array<i32>} : memref<96x224xf32, #tpu.memory_space<vmem>>, vector<16xf32>,
      %swap3A_110 = arith.index_cast %scan3A_80 : i32 to index
      %swap3A_111 = arith.constant 160 : index
      %swap3A_112 = tpu.vector_load %arg5[%swap3A_110, %swap3A_111] {strides = array<i32>} : memref<96x224xf32, #tpu.memory_space<vmem>>, vector<16xf32>,
      tpu.vector_store %arg5[%swap3A_110, %swap3A_111], %broadcast_in_dim3A_3 {strides = array<i32>} : memref<96x224xf32, #tpu.memory_space<vmem>>, vector<16xf32>,
      %swap3A_113 = arith.index_cast %scan3A_80 : i32 to index
      %swap3A_114 = arith.constant 176 : index
      %swap3A_115 = tpu.vector_load %arg5[%swap3A_113, %swap3A_114] {strides = array<i32>} : memref<96x224xf32, #tpu.memory_space<vmem>>, vector<16xf32>,
      tpu.vector_store %arg5[%swap3A_113, %swap3A_114], %broadcast_in_dim3A_3 {strides = array<i32>} : memref<96x224xf32, #tpu.memory_space<vmem>>, vector<16xf32>,
      %swap3A_116 = arith.index_cast %scan3A_80 : i32 to index
      %swap3A_117 = arith.constant 192 : index
      %swap3A_118 = tpu.vector_load %arg5[%swap3A_116, %swap3A_117] {strides = array<i32>} : memref<96x224xf32, #tpu.memory_space<vmem>>, vector<16xf32>,
      tpu.vector_store %arg5[%swap3A_116, %swap3A_117], %broadcast_in_dim3A_3 {strides = array<i32>} : memref<96x224xf32, #tpu.memory_space<vmem>>, vector<16xf32>,
      %swap3A_119 = arith.index_cast %scan3A_80 : i32 to index
      %swap3A_120 = arith.constant 208 : index
      %swap3A_121 = tpu.vector_load %arg5[%swap3A_119, %swap3A_120] {strides = array<i32>} : memref<96x224xf32, #tpu.memory_space<vmem>>, vector<16xf32>,
      tpu.vector_store %arg5[%swap3A_119, %swap3A_120], %broadcast_in_dim3A_3 {strides = array<i32>} : memref<96x224xf32, #tpu.memory_space<vmem>>, vector<16xf32>,
    }
    %scan3A_10 = arith.constant 96 : i32
    %get3A = arith.constant 0 : index
    %get3A_11 = tpu.vector_load %arg4[%get3A] {strides = array<i32>} : memref<224xi32, #tpu.memory_space<vmem>>, vector<16xi32>,
    %add3A_12 = arith.constant 0 : i32
    %add3A_13 = vector.broadcast %add3A_12 : i32 to vector<16xi32>
    %add3A_14 = arith.addi %iota3A, %add3A_13 : vector<16xi32>
    tpu.vector_store_idx %arg5[%get3A_11, %add3A_14], %broadcast_in_dim3A_5 : memref<96x224xf32, #tpu.memory_space<vmem>>[vector<16xi32>, vector<16xi32>], vector<16xf32>,
    %get3A_15 = arith.constant 16 : index
    %get3A_16 = tpu.vector_load %arg4[%get3A_15] {strides = array<i32>} : memref<224xi32, #tpu.memory_space<vmem>>, vector<16xi32>,
    %add3A_17 = arith.constant 16 : i32
    %add3A_18 = vector.broadcast %add3A_17 : i32 to vector<16xi32>
    %add3A_19 = arith.addi %iota3A, %add3A_18 : vector<16xi32>
    tpu.vector_store_idx %arg5[%get3A_16, %add3A_19], %broadcast_in_dim3A_5 : memref<96x224xf32, #tpu.memory_space<vmem>>[vector<16xi32>, vector<16xi32>], vector<16xf32>,
    %get3A_20 = arith.constant 32 : index
    %get3A_21 = tpu.vector_load %arg4[%get3A_20] {strides = array<i32>} : memref<224xi32, #tpu.memory_space<vmem>>, vector<16xi32>,
    %add3A_22 = arith.constant 32 : i32
    %add3A_23 = vector.broadcast %add3A_22 : i32 to vector<16xi32>
    %add3A_24 = arith.addi %iota3A, %add3A_23 : vector<16xi32>
    tpu.vector_store_idx %arg5[%get3A_21, %add3A_24], %broadcast_in_dim3A_5 : memref<96x224xf32, #tpu.memory_space<vmem>>[vector<16xi32>, vector<16xi32>], vector<16xf32>,
    %get3A_25 = arith.constant 48 : index
    %get3A_26 = tpu.vector_load %arg4[%get3A_25] {strides = array<i32>} : memref<224xi32, #tpu.memory_space<vmem>>, vector<16xi32>,
    %add3A_27 = arith.constant 48 : i32
    %add3A_28 = vector.broadcast %add3A_27 : i32 to vector<16xi32>
    %add3A_29 = arith.addi %iota3A, %add3A_28 : vector<16xi32>
    tpu.vector_store_idx %arg5[%get3A_26, %add3A_29], %broadcast_in_dim3A_5 : memref<96x224xf32, #tpu.memory_space<vmem>>[vector<16xi32>, vector<16xi32>], vector<16xf32>,
    %get3A_30 = arith.constant 64 : index
    %get3A_31 = tpu.vector_load %arg4[%get3A_30] {strides = array<i32>} : memref<224xi32, #tpu.memory_space<vmem>>, vector<16xi32>,
    %add3A_32 = arith.constant 64 : i32
    %add3A_33 = vector.broadcast %add3A_32 : i32 to vector<16xi32>
    %add3A_34 = arith.addi %iota3A, %add3A_33 : vector<16xi32>
    tpu.vector_store_idx %arg5[%get3A_31, %add3A_34], %broadcast_in_dim3A_5 : memref<96x224xf32, #tpu.memory_space<vmem>>[vector<16xi32>, vector<16xi32>], vector<16xf32>,
    %get3A_35 = arith.constant 80 : index
    %get3A_36 = tpu.vector_load %arg4[%get3A_35] {strides = array<i32>} : memref<224xi32, #tpu.memory_space<vmem>>, vector<16xi32>,
    %add3A_37 = arith.constant 80 : i32
    %add3A_38 = vector.broadcast %add3A_37 : i32 to vector<16xi32>
    %add3A_39 = arith.addi %iota3A, %add3A_38 : vector<16xi32>
    tpu.vector_store_idx %arg5[%get3A_36, %add3A_39], %broadcast_in_dim3A_5 : memref<96x224xf32, #tpu.memory_space<vmem>>[vector<16xi32>, vector<16xi32>], vector<16xf32>,
    %get3A_40 = arith.constant 96 : index
    %get3A_41 = tpu.vector_load %arg4[%get3A_40] {strides = array<i32>} : memref<224xi32, #tpu.memory_space<vmem>>, vector<16xi32>,
    %add3A_42 = arith.constant 96 : i32
    %add3A_43 = vector.broadcast %add3A_42 : i32 to vector<16xi32>
    %add3A_44 = arith.addi %iota3A, %add3A_43 : vector<16xi32>
    tpu.vector_store_idx %arg5[%get3A_41, %add3A_44], %broadcast_in_dim3A_5 : memref<96x224xf32, #tpu.memory_space<vmem>>[vector<16xi32>, vector<16xi32>], vector<16xf32>,
    %get3A_45 = arith.constant 112 : index
    %get3A_46 = tpu.vector_load %arg4[%get3A_45] {strides = array<i32>} : memref<224xi32, #tpu.memory_space<vmem>>, vector<16xi32>,
    %add3A_47 = arith.constant 112 : i32
    %add3A_48 = vector.broadcast %add3A_47 : i32 to vector<16xi32>
    %add3A_49 = arith.addi %iota3A, %add3A_48 : vector<16xi32>
    tpu.vector_store_idx %arg5[%get3A_46, %add3A_49], %broadcast_in_dim3A_5 : memref<96x224xf32, #tpu.memory_space<vmem>>[vector<16xi32>, vector<16xi32>], vector<16xf32>,
    %get3A_50 = arith.constant 128 : index
    %get3A_51 = tpu.vector_load %arg4[%get3A_50] {strides = array<i32>} : memref<224xi32, #tpu.memory_space<vmem>>, vector<16xi32>,
    %add3A_52 = arith.constant 128 : i32
    %add3A_53 = vector.broadcast %add3A_52 : i32 to vector<16xi32>
    %add3A_54 = arith.addi %iota3A, %add3A_53 : vector<16xi32>
    tpu.vector_store_idx %arg5[%get3A_51, %add3A_54], %broadcast_in_dim3A_5 : memref<96x224xf32, #tpu.memory_space<vmem>>[vector<16xi32>, vector<16xi32>], vector<16xf32>,
    %get3A_55 = arith.constant 144 : index
    %get3A_56 = tpu.vector_load %arg4[%get3A_55] {strides = array<i32>} : memref<224xi32, #tpu.memory_space<vmem>>, vector<16xi32>,
    %add3A_57 = arith.constant 144 : i32
    %add3A_58 = vector.broadcast %add3A_57 : i32 to vector<16xi32>
    %add3A_59 = arith.addi %iota3A, %add3A_58 : vector<16xi32>
    tpu.vector_store_idx %arg5[%get3A_56, %add3A_59], %broadcast_in_dim3A_5 : memref<96x224xf32, #tpu.memory_space<vmem>>[vector<16xi32>, vector<16xi32>], vector<16xf32>,
    %get3A_60 = arith.constant 160 : index
    %get3A_61 = tpu.vector_load %arg4[%get3A_60] {strides = array<i32>} : memref<224xi32, #tpu.memory_space<vmem>>, vector<16xi32>,
    %add3A_62 = arith.constant 160 : i32
    %add3A_63 = vector.broadcast %add3A_62 : i32 to vector<16xi32>
    %add3A_64 = arith.addi %iota3A, %add3A_63 : vector<16xi32>
    tpu.vector_store_idx %arg5[%get3A_61, %add3A_64], %broadcast_in_dim3A_5 : memref<96x224xf32, #tpu.memory_space<vmem>>[vector<16xi32>, vector<16xi32>], vector<16xf32>,
    %get3A_65 = arith.constant 176 : index
    %get3A_66 = tpu.vector_load %arg4[%get3A_65] {strides = array<i32>} : memref<224xi32, #tpu.memory_space<vmem>>, vector<16xi32>,
    %add3A_67 = arith.constant 176 : i32
    %add3A_68 = vector.broadcast %add3A_67 : i32 to vector<16xi32>
    %add3A_69 = arith.addi %iota3A, %add3A_68 : vector<16xi32>
    tpu.vector_store_idx %arg5[%get3A_66, %add3A_69], %broadcast_in_dim3A_5 : memref<96x224xf32, #tpu.memory_space<vmem>>[vector<16xi32>, vector<16xi32>], vector<16xf32>,
    %get3A_70 = arith.constant 192 : index
    %get3A_71 = tpu.vector_load %arg4[%get3A_70] {strides = array<i32>} : memref<224xi32, #tpu.memory_space<vmem>>, vector<16xi32>,
    %add3A_72 = arith.constant 192 : i32
    %add3A_73 = vector.broadcast %add3A_72 : i32 to vector<16xi32>
    %add3A_74 = arith.addi %iota3A, %add3A_73 : vector<16xi32>
    tpu.vector_store_idx %arg5[%get3A_71, %add3A_74], %broadcast_in_dim3A_5 : memref<96x224xf32, #tpu.memory_space<vmem>>[vector<16xi32>, vector<16xi32>], vector<16xf32>,
    %get3A_75 = arith.constant 208 : index
    %get3A_76 = tpu.vector_load %arg4[%get3A_75] {strides = array<i32>} : memref<224xi32, #tpu.memory_space<vmem>>, vector<16xi32>,
    %add3A_77 = arith.constant 208 : i32
    %add3A_78 = vector.broadcast %add3A_77 : i32 to vector<16xi32>
    %add3A_79 = arith.addi %iota3A, %add3A_78 : vector<16xi32>
    tpu.vector_store_idx %arg5[%get3A_76, %add3A_79], %broadcast_in_dim3A_5 : memref<96x224xf32, #tpu.memory_space<vmem>>[vector<16xi32>, vector<16xi32>], vector<16xf32>,
    "tpu.region"() ({
      %run_scoped3A = tpu.sem_alloc : memref<!tpu.dma_semaphore, #tpu.memory_space<semaphore_mem>>
      %dma_start3A = arith.constant 0 : i32
      %dma_start3A_80 = tpu.memref_slice %arg3[%dma_start3A, %mul3A_2] : memref<96x7168xf32, #tpu.memory_space<hbm>> -> memref<96x224xf32, #tpu.memory_space<hbm>>
      %dma_start3A_81 = arith.constant 0 : i32
      %dma_start3A_82 = tpu.memref_slice %arg3[%dma_start3A_81, %mul3A_2] : memref<96x7168xf32, #tpu.memory_space<hbm>> -> memref<96x224xf32, #tpu.memory_space<hbm>>
      tpu.enqueue_dma source(%arg5 : memref<96x224xf32, #tpu.memory_space<vmem>>) target(%dma_start3A_82 : memref<96x224xf32, #tpu.memory_space<hbm>>) target_semaphore(%run_scoped3A : memref<!tpu.dma_semaphore, #tpu.memory_space<semaphore_mem>>)
      %dma_wait3A = arith.constant 0 : i32
      %dma_wait3A_83 = tpu.memref_slice %arg3[%dma_wait3A, %mul3A_2] : memref<96x7168xf32, #tpu.memory_space<hbm>> -> memref<96x224xf32, #tpu.memory_space<hbm>>
      %dma_wait3A_84 = arith.constant 0 : i32
      %dma_wait3A_85 = tpu.memref_slice %arg3[%dma_wait3A_84, %mul3A_2] : memref<96x7168xf32, #tpu.memory_space<hbm>> -> memref<96x224xf32, #tpu.memory_space<hbm>>
      tpu.wait_dma2 semaphore(%run_scoped3A : memref<!tpu.dma_semaphore, #tpu.memory_space<semaphore_mem>>) src(%arg5 : memref<96x224xf32, #tpu.memory_space<vmem>>) dst(%dma_wait3A_85 : memref<96x224xf32, #tpu.memory_space<hbm>>)
      tpu.yield
    }) : () -> ()
    return
  }
}

module attributes {stable_mosaic.version = 14 : i64} {
  func.func @_tc_body_b(%arg0: i32, %arg1: i32, %arg2: memref<1x32x224xi32, #tpu.memory_space<vmem>>, %arg3: memref<16x96x224x224xf32, #tpu.memory_space<any>>, %arg4: memref<1x96x32x224xf32, #tpu.memory_space<vmem>>) attributes {dimension_semantics = [#tpu.dimension_semantics<arbitrary>, #tpu.dimension_semantics<arbitrary>], iteration_bounds = array<i64: 1, 6>, scalar_prefetch = 0 : i64, scratch_operands = 0 : i64, tpu.core_type = #tpu.core_type<tc>, window_params = [{transform_indices = @transform_0, window_bounds = array<i64: 1, 32, 224>}, {}, {transform_indices = @transform_2, window_bounds = array<i64: 1, 96, 32, 224>}]} {
    %get3A = arith.constant 0 : index
    %get3A_0 = arith.constant 0 : index
    %get3A_1 = arith.constant 0 : index
    %get3A_2 = vector.load %arg2[%get3A, %get3A_0, %get3A_1] : memref<1x32x224xi32, #tpu.memory_space<vmem>>, vector<1x32x224xi32>
    %get3A_3 = vector.shape_cast %get3A_2 : vector<1x32x224xi32> to vector<32x224xi32>
    %iota3A = tpu.iota {dimensions = array<i32: 0>} : vector<96x32x224xi32>
    %broadcast_in_dim3A = vector.shape_cast %get3A_3 : vector<32x224xi32> to vector<1x32x224xi32>
    %eq3A = vector.broadcast %broadcast_in_dim3A : vector<1x32x224xi32> to vector<96x32x224xi32>
    %eq3A_4 = arith.cmpi eq, %iota3A, %eq3A : vector<96x32x224xi32>
    %jit3A = arith.constant 1.000000e+00 : f32
    %jit3A_5 = arith.constant 0.000000e+00 : f32
    %broadcast_in_dim3A_6 = vector.broadcast %jit3A : f32 to vector<96x32x224xf32>
    %broadcast_in_dim3A_7 = vector.broadcast %jit3A_5 : f32 to vector<96x32x224xf32>
    %select_n3A = arith.select %eq3A_4, %broadcast_in_dim3A_6, %broadcast_in_dim3A_7 : vector<96x32x224xi1>, vector<96x32x224xf32>
    %swap3A = arith.constant 0 : index
    %swap3A_8 = arith.constant 0 : index
    %swap3A_9 = arith.constant 0 : index
    %swap3A_10 = arith.constant 0 : index
    %swap3A_11 = vector.load %arg4[%swap3A, %swap3A_8, %swap3A_9, %swap3A_10] : memref<1x96x32x224xf32, #tpu.memory_space<vmem>>, vector<1x96x32x224xf32>
    %swap3A_12 = vector.shape_cast %swap3A_11 : vector<1x96x32x224xf32> to vector<96x32x224xf32>
    %swap3A_13 = vector.shape_cast %select_n3A : vector<96x32x224xf32> to vector<1x96x32x224xf32>
    tpu.vector_store %arg4[%swap3A, %swap3A_8, %swap3A_9, %swap3A_10], %swap3A_13 {strides = array<i32>} : memref<1x96x32x224xf32, #tpu.memory_space<vmem>>, vector<1x96x32x224xf32>,
    return
  }
  func.func @transform_0(%arg0: i32, %arg1: i32) -> (i32, i32, i32) {
    %add3A = arith.constant 1 : i32
    %add3A_0 = arith.addi %arg1, %add3A : i32
    %c0_i32 = arith.constant 0 : i32
    %c0_i32_1 = arith.constant 0 : i32
    %c0_i32_2 = arith.constant 0 : i32
    return %c0_i32, %add3A_0, %c0_i32_1 : i32, i32, i32
  }
  func.func @transform_2(%arg0: i32, %arg1: i32) -> (i32, i32, i32, i32) {
    %add3A = arith.constant 1 : i32
    %add3A_0 = arith.addi %arg1, %add3A : i32
    %c0_i32 = arith.constant 0 : i32
    %c0_i32_1 = arith.constant 0 : i32
    %c0_i32_2 = arith.constant 0 : i32
    %c0_i32_3 = arith.constant 0 : i32
    return %c0_i32, %c0_i32_1, %add3A_0, %c0_i32_2 : i32, i32, i32, i32
  }
}

module attributes {stable_mosaic.version = 14 : i64} {
  func.func @_tc_body(%arg0: i32, %arg1: i32, %arg2: memref<1x112x224xi32, #tpu.memory_space<vmem>>, %arg3: memref<1x96x112x224xf32, #tpu.memory_space<vmem>>) attributes {dimension_semantics = [#tpu.dimension_semantics<arbitrary>, #tpu.dimension_semantics<arbitrary>], iteration_bounds = array<i64: 15, 2>, scalar_prefetch = 0 : i64, scratch_operands = 0 : i64, tpu.core_type = #tpu.core_type<tc>, window_params = [{transform_indices = @transform_0, window_bounds = array<i64: 1, 112, 224>}, {transform_indices = @transform_1, window_bounds = array<i64: 1, 96, 112, 224>}]} {
    %get3A = arith.constant 0 : index
    %get3A_0 = arith.constant 0 : index
    %get3A_1 = arith.constant 0 : index
    %get3A_2 = vector.load %arg2[%get3A, %get3A_0, %get3A_1] : memref<1x112x224xi32, #tpu.memory_space<vmem>>, vector<1x112x224xi32>
    %get3A_3 = vector.shape_cast %get3A_2 : vector<1x112x224xi32> to vector<112x224xi32>
    %iota3A = tpu.iota {dimensions = array<i32: 0>} : vector<96x112x224xi32>
    %broadcast_in_dim3A = vector.shape_cast %get3A_3 : vector<112x224xi32> to vector<1x112x224xi32>
    %eq3A = vector.broadcast %broadcast_in_dim3A : vector<1x112x224xi32> to vector<96x112x224xi32>
    %eq3A_4 = arith.cmpi eq, %iota3A, %eq3A : vector<96x112x224xi32>
    %jit3A = arith.constant 1.000000e+00 : f32
    %jit3A_5 = arith.constant 0.000000e+00 : f32
    %broadcast_in_dim3A_6 = vector.broadcast %jit3A : f32 to vector<96x112x224xf32>
    %broadcast_in_dim3A_7 = vector.broadcast %jit3A_5 : f32 to vector<96x112x224xf32>
    %select_n3A = arith.select %eq3A_4, %broadcast_in_dim3A_6, %broadcast_in_dim3A_7 : vector<96x112x224xi1>, vector<96x112x224xf32>
    %swap3A = arith.constant 0 : index
    %swap3A_8 = arith.constant 0 : index
    %swap3A_9 = arith.constant 0 : index
    %swap3A_10 = arith.constant 0 : index
    %swap3A_11 = vector.load %arg3[%swap3A, %swap3A_8, %swap3A_9, %swap3A_10] : memref<1x96x112x224xf32, #tpu.memory_space<vmem>>, vector<1x96x112x224xf32>
    %swap3A_12 = vector.shape_cast %swap3A_11 : vector<1x96x112x224xf32> to vector<96x112x224xf32>
    %swap3A_13 = vector.shape_cast %select_n3A : vector<96x112x224xf32> to vector<1x96x112x224xf32>
    tpu.vector_store %arg3[%swap3A, %swap3A_8, %swap3A_9, %swap3A_10], %swap3A_13 {strides = array<i32>} : memref<1x96x112x224xf32, #tpu.memory_space<vmem>>, vector<1x96x112x224xf32>,
    return
  }
  func.func @transform_0(%arg0: i32, %arg1: i32) -> (i32, i32, i32) {
    %add3A = arith.constant 1 : i32
    %add3A_0 = arith.addi %arg0, %add3A : i32
    %c0_i32 = arith.constant 0 : i32
    %c0_i32_1 = arith.constant 0 : i32
    return %add3A_0, %arg1, %c0_i32 : i32, i32, i32
  }
  func.func @transform_1(%arg0: i32, %arg1: i32) -> (i32, i32, i32, i32) {
    %add3A = arith.constant 1 : i32
    %add3A_0 = arith.addi %arg0, %add3A : i32
    %c0_i32 = arith.constant 0 : i32
    %c0_i32_1 = arith.constant 0 : i32
    %c0_i32_2 = arith.constant 0 : i32
    return %add3A_0, %c0_i32, %arg1, %c0_i32_1 : i32, i32, i32, i32
  }
}

</mosaic_0001>

<sc_bundles>
// kernel: kernel.5.cloned.1.call-start
scs
__scs_entry_jumppad:
0x0: {  	(pc) =	sbr.rel $0x88, $3  }
0x1: {  	(tag) =	ssettag $0x0;
	lr =	simm.s32 $0x1  }
0x2: {  	[smem:$0x3FA0] =	sst lr;
	_ =	strace $0xD0000000  }
0x3: {  	_ = 	snop  }
0x4: {  	_ = 	snop  }
0x5: {  	_ = 	snop  }
0x6: {  	_ = 	snop  }
0x7: {  	_ = 	snop  }
__scs_overlays_trampoline_lowered:
0x8: {  	[smem:$0x3FAF] =	sst s0  }
0x9: {  	[smem:$0x3FB0] =	sst s1  }
0xa: {  	[smem:$0x3FB1] =	sst s2  }
0xb: {  	[smem:$0x3FB2] =	sst s3  }
0xc: {  	[smem:$0x3FB3] =	sst s4  }
0xd: {  	[smem:$0x3FB4] =	sst s5  }
0xe: {  	[smem:$0x3FB5] =	sst s6  }
0xf: {  	[smem:$0x3FB6] =	sst s7  }
0x10: {  	[smem:$0x3FB7] =	sst s8  }
0x11: {  	[smem:$0x3FB8] =	sst s9;
	s0 =	simm.s32 @!p0 $0x0  }
0x12: {  	s1 =	sld [smem:$0x3F9E];
	s0 =	simm.s32 @p0 $0x1  }
0x13: {  	[smem:$0x3FB9] =	sst s0;
	s0 =	simm.s32 @!p1 $0x0  }
0x14: {  	s2 =	sld [smem:$0x3F9D];
	s0 =	simm.s32 @p1 $0x1  }
0x15: {  	[smem:$0x3FBA] =	sst s0;
	s0 =	simm.s32 @!p2 $0x0  }
0x16: {  	s3 =	sld [smem:$0x3FDB];
	s0 =	simm.s32 @p2 $0x1  }
0x17: {  	s4 =	simm.s32 $0x1BF5;
	[smem:$0x3FBC] =	sst s0  }
0x18: {  	s0 =	sld [smem:$0x3F9F];
	_ =	swait.ge [sflag:s4], $0x0  }
0x19: {  	s7 =	sld [smem:$0x3FA0]  }
0x1a: {  	s8 =	sadd.s32 $0xFFFFE003, lr  }
0x1b: {  	s9 =	sadd.s32 $0xFFFFFEF7, lr;
	s5 =	simm.s32 $0xFFFFFFFF;
	p2 =	slt.u32 s8, $0xFFFFF086  }
0x1c: {  	p1 =	slt.u32 s9, $0xF7A;
	s5 =	simm.s32 @!p2 $0x0  }
0x1d: {  	s5 =	simm.s32 @p1 $0x1;
	p0 =	seq.s32 s7, s2  }
0x1e: {  	s7 =	smul.u32 @!p0 $0xF7A, s2;
	p2 =	seq.s32 @!p0 s5, $0x0  }
0x1f: {  	s9 =	smul.u32 $0xF7A, s1;
	s8 =	simm.s32 @!p0 $0x1BF5;
	p2 =	por !p2, p0  }
0x20: {  	[sflag:s8] =	ssyncset.s32 @!p0 $0xFFFFF086;
	s6 =	sadd.s32 @!p0 s3, s7;
	s7 =	simm.s32 @!p0 $0x108  }
0x21: {  	s3 =	sadd.s32 s3, s9;
	s6 =	sadd.s32 @!p0 $0x88, s6;
	s7 =	simm.s32 @p2 $0x1082  }
0x22: {  	[simem:s7], [sflag:s8] =	dma.local @!p0 [hbm:s6], $0xF7A  }
0x23: {  	s9 =	sor.u32 $0xD0000000, s2;
	s6 =	simm.s32 $0x108;
	_ =	swait.ge @!p0 [sflag:s8], $0x0  }
0x24: {  	s3 =	sadd.s32 $0x88, s3;
	s6 =	simm.s32 @!p1 $0x1082;
	[sflag:s4] =	ssyncset.s32 $0xFFFFF086  }
0x25: {  	[simem:s6], [sflag:s4] =	dma.local [hbm:s3], $0xF7A  }
0x26: {  	[smem:$0x3FA0] =	sst s1;
	(tag) =	ssettag s2;
	_ =	strace s9  }
0x27: {  	s1 =	sld [smem:$0x3FB0]  }
0x28: {  	s2 =	sld [smem:$0x3FB1]  }
0x29: {  	s4 =	sld [smem:$0x3FB3]  }
0x2a: {  	p0 =	seq.s32 s5, $0x0;
	s5 =	sld [smem:$0x3FB4]  }
0x2b: {  	s6 =	sld [smem:$0x3FB5]  }
0x2c: {  	s7 =	sld [smem:$0x3FB6]  }
0x2d: {  	s3 =	simm.s32 $0x108;
	s8 =	sld [smem:$0x3FB7]  }
0x2e: {  	s3 =	simm.s32 @!p0 $0x1082;
	s9 =	sld [smem:$0x3FB8]  }
0x2f: {  	lr =	sadd.s32 s0, s3;
	s0 =	sld [smem:$0x3FAF]  }
0x30: {  	s3 =	sld [smem:$0x3FB2]  }
0x31: {  	[smem:$0x3FBB] =	sst s10  }
0x32: {  	s10 =	sld [smem:$0x3FB9];
	_ =	sdelay $0x3  }
0x33: {  	p0 =	seq.s32 s10, $0x1;
	s10 =	sld [smem:$0x3FBB];
	_ =	sdelay $0x3  }
0x34: {  	[smem:$0x3FBB] =	sst s10  }
0x35: {  	s10 =	sld [smem:$0x3FBA];
	_ =	sdelay $0x3  }
0x36: {  	p1 =	seq.s32 s10, $0x1;
	s10 =	sld [smem:$0x3FBB];
	_ =	sdelay $0x3  }
0x37: {  	[smem:$0x3FBB] =	sst s10  }
0x38: {  	s10 =	sld [smem:$0x3FBC]  }
0x39: {  	_ = 	snop;
	(pc) =	sbr.ind lr, $3  }
0x3a: {  	_ = 	snop  }
0x3b: {  	_ = 	snop  }
0x3c: {  	p2 =	seq.s32 s10, $0x1;
	s10 =	sld [smem:$0x3FBB]  }
0x3d: {  	_ =	shalt  }
0x3e: {  	_ =	shalt  }
0x3f: {  	_ =	shalt  }
0x40: {  	_ =	shalt  }
0x41: {  	_ =	shalt  }
0x42: {  	_ =	shalt  }
0x43: {  	_ =	shalt  }
0x44: {  	_ =	shalt  }
0x45: {  	_ =	shalt  }
0x46: {  	_ =	shalt  }
0x47: {  	_ =	shalt  }
0x48: {  	_ =	shalt  }
0x49: {  	_ =	shalt  }
0x4a: {  	_ =	shalt  }
0x4b: {  	_ =	shalt  }
0x4c: {  	_ =	shalt  }
0x4d: {  	_ =	shalt  }
0x4e: {  	_ =	shalt  }
0x4f: {  	_ =	shalt  }
0x50: {  	_ =	shalt  }
0x51: {  	_ =	shalt  }
0x52: {  	_ =	shalt  }
0x53: {  	_ =	shalt  }
0x54: {  	_ =	shalt  }
0x55: {  	_ =	shalt  }
0x56: {  	_ =	shalt  }
0x57: {  	_ =	shalt  }
0x58: {  	_ =	shalt  }
0x59: {  	_ =	shalt  }
0x5a: {  	_ =	shalt  }
0x5b: {  	_ =	shalt  }
0x5c: {  	_ =	shalt  }
0x5d: {  	_ =	shalt  }
0x5e: {  	_ =	shalt  }
0x5f: {  	_ =	shalt  }
0x60: {  	_ =	shalt  }
0x61: {  	_ =	shalt  }
0x62: {  	_ =	shalt  }
0x63: {  	_ =	shalt  }
0x64: {  	_ =	shalt  }
0x65: {  	_ =	shalt  }
0x66: {  	_ =	shalt  }
0x67: {  	_ =	shalt  }
0x68: {  	_ =	shalt  }
0x69: {  	_ =	shalt  }
0x6a: {  	_ =	shalt  }
0x6b: {  	_ =	shalt  }
0x6c: {  	_ =	shalt  }
0x6d: {  	_ =	shalt  }
0x6e: {  	_ =	shalt  }
0x6f: {  	_ =	shalt  }
0x70: {  	_ =	shalt  }
0x71: {  	_ =	shalt  }
0x72: {  	_ =	shalt  }
0x73: {  	_ =	shalt  }
0x74: {  	_ =	shalt  }
0x75: {  	_ =	shalt  }
0x76: {  	_ =	shalt  }
0x77: {  	_ =	shalt  }
0x78: {  	_ =	shalt  }
0x79: {  	_ =	shalt  }
0x7a: {  	_ =	shalt  }
0x7b: {  	_ =	shalt  }
0x7c: {  	_ =	shalt  }
0x7d: {  	_ =	shalt  }
0x7e: {  	_ =	shalt  }
0x7f: {  	_ =	shalt  }
0x80: {  	_ =	shalt  }
0x81: {  	_ =	shalt  }
0x82: {  	_ =	shalt  }
0x83: {  	_ =	shalt  }
0x84: {  	_ =	shalt  }
0x85: {  	_ =	shalt  }
0x86: {  	_ =	shalt  }
0x87: {  	_ =	shalt  }
.Lfunc_end0:
.L_simem_size_0:
called_computation_lowered:
.L_overlay_start_0:
0x88: {  	s2 =	sld [smem:$0x3FD9]  }
0x89: {  	s3 =	sld [smem:$0x3FFE];
	_ =	sdelay $0x1  }
0x8a: {  	s1 =	srdreg.scid  }
0x8b: {  	s0 =	sand.u32 $0x1, s1  }
0x8c: {  	s16 =	sshll.u32 s0, $0xA;
	s2 =	sadd.s32 s3, s2  }
0x8d: {  	s2 =	sadd.s32 s2, s16  }
0x8e: {  	[smem:$0x3FC7] =	sst s2  }
0x8f: {  	_ = 	snop  }
0x90: {  	(tm) =	ssettm $0x1  }
0x91: {  	s17 =	sld [smem:$0x3FFB];
	_ =	sdelay $0x3  }
0x92: {  	_ =	strace s17  }
0x93: {  	s2 =	sld [smem:$0x3FFC];
	_ =	sdelay $0x3  }
0x94: {  	_ =	strace s2  }
0x95: {  	s2 =	sld [smem:$0x3FFD];
	_ =	sdelay $0x3  }
0x96: {  	_ =	strace s2  }
0x97: {  	_ =	strace $0x8FFFFFFF  }
0x98: {  	s18 =	sld [smem:$0x3FDB];
	_ =	sdelay $0x1  }
0x99: {  	s19 =	simm.s32 $_scs_section_size  }
0x9a: {  	s4 =	simm.s32 $_size__tile_overlayer_lowered;
	s5 =	simm.s32 $_tile_overlayer_lowered  }
0x9b: {  	s22 =	simm.s32 $0x1BFF;
	s21 =	sshll.u32 s5, $0x1;
	s2 =	sadd.s32 s19, s18  }
0x9c: {  	s6 =	simm.s32 $0x0;
	s20 =	sshll.u32 s4, $0x1;
	s4 =	sadd.s32 s21, s2  }
0x9d: {  	[timem:s6], [sflag:s22] =	dma.local [hbm:s4], s20  }
0x9e: {  	_ =	swait.ge [sflag:s22], s20  }
0x9f: {  	s3 =	ssub.s32 $0x0, s20;
	[sflag:s22] =	ssyncset.done $0x0  }
0xa0: {  	[sflag:s22] =	ssyncadd.s32 s3;
	_ =	sdelay $0x1  }
0xa1: {  	s23 =	simm.s32 $0x1B8B  }
0xa2: {  	_ =	swait.ge [sflag:s23], $0x1  }
0xa3: {  	[sflag:s23] =	ssyncset.done $0x0  }
0xa4: {  	s25 =	simm.s32 $0x1B8E;
	s24 =	sld [smem:$0x3FFE];
	[sflag:s23] =	ssyncadd.s32 $0xFFFFFFFF  }
0xa5: {  	s26 =	simm.s32 $execute0_lowered;
	[smem:$0x3FD2] =	sst s25  }
0xa6: {  	s4 =	sshll.u32 s26, $0x1;
	_ =	strace $0x80000046;
	[dreg:$0x1] =	wrdreg $0xFFFFFFFF  }
0xa7: {  	s28 =	simm.s32 $_size_execute0_lowered;
	s2 =	sadd.s32 s2, s4;
	[dreg:$0x0] =	wrdreg $0x0  }
0xa8: {  	s4 =	sshll.u32 s28, $0x1;
	[dreg:$0x2] =	wrdreg s2  }
0xa9: {  	[dreg:$0x3] =	wrdreg s4  }
0xaa: {  	[dreg:$0x4] =	wrdreg $0xC0  }
0xab: {  	_ =	task [dreg:s6], $0x5FFFF  }
0xac: {  	[dreg:$0x1] =	wrdreg $0xFFFFFFFF  }
0xad: {  	[dreg:$0x0] =	wrdreg $0x60  }
0xae: {  	[dreg:$0x2] =	wrdreg s24  }
0xaf: {  	[dreg:$0x3] =	wrdreg $0x9  }
0xb0: {  	_ =	task.clear_ibuf [dreg:s6], $0x4FFFF;
	_ =	strace $0x90000046  }
0xb1: {  	s29 =	simm.s32 $0x9;
	_ =	strace $0x80000048  }
0xb2: {  	_ =	swait.ge [sflag:s29], $0x1  }
0xb3: {  	[sflag:s29] =	ssyncadd.s32 $0xFFFFFFFF  }
0xb4: {  	_ =	strace $0x90000048  }
0xb5: {  	_ =	sfence  }
0xb6: {  	s30 =	sld [smem:$0x0];
	_ =	sdelay $0x2  }
0xb7: {  	s31 =	sshll.u32 s1, $0xD;
	s1 =	sshrl.u32 s1, $0x2  }
0xb8: {  	s3 =	sand.u32 $0x4000, s31;
	s1 =	sadd.s32 s1, s30  }
0xb9: {  	s0 =	sor.u32 s3, s0;
	s1 =	sshll.u32 s1, $0x11  }
0xba: {  	s0 =	sor.u32 s1, s0  }
0xbb: {  	s0 =	sadd.s32 $0x8F2B, s0  }
0xbc: {  	[sflag:s0] =	ssyncadd.remote.s32 $0x1  }
0xbd: {  	_ =	sfence.sel $0xFFFF  }
0xbe: {  	[dreg:$0x0] =	wrdreg $0xFFFFFFFF;
	(pc) =	sbr.abs _section_cstart, $3  }
0xbf: {  	[dreg:$0x1] =	wrdreg $0xFFFFFFFF  }
0xc0: {  	_ =	task.clear_ibuf [dreg:s6], $0x2FFFF;
	_ =	strace $0x9FFFFFFF  }
0xc1: {  	(tm) =	ssettm $0x7FFFFFFF  }
tec
execute0_lowered:
.L_overlay_start_1:
0x0: {  	(tag) =	ssettag $0x1  }
0x1: {  	s1 =	srdreg.scid  }
0x2: {  	s0 =	stileid.u32;
	s4 =	rddreg [dreg:$0x0];
	s2 =	simm.s32 $0x0  }
0x3: {  	v0 =	vlaneseq.u32;
	s6 =	simm.s32 $0x1;
	s3 =	sand.u32 $0x1, s1;
	s30 =	sshll.u32 s0, $0x1  }
0x4: {  	v1 =	vimm.f32 $0.0e+00;
	v2 =	vimm.f32 $1.000000000e+00;
	s7 =	simm.s32 $0xE0;
	s8 =	simm.s32 $0x1C00;
	v3 =	vor.u32 $0x10, v0;
	s1 =	sor.u32 s3, s30  }
0x5: {  	[smem:$0x7FF] =	sst s2;
	v4 =	vor.u32 $0x20, v0;
	v5 =	vor.u32 $0x30, v0;
	v6 =	vor.u32 $0x40, v0;
	s3 =	ssub.s32 $0x2, s3;
	s5 =	smul.u32 $0x1C, s1  }
0x6: {  	s9 =	simm.s32 $0x0;
	v7 =	vor.u32 $0x50, v0;
	v8 =	vor.u32 $0x60, v0;
	v9 =	vor.u32 $0x70, v0;
	s1 =	rddreg [dreg:$0x1];
	s31 =	sshrl.u32 s3, $0x1  }
0x7: {  	v10 =	vor.u32 $0x80, v0;
	v11 =	vor.u32 $0x90, v0;
	v12 =	vor.u32 $0xA0, v0;
	_ =	strace $0x80000047;
	s4 =	sadd.s32 s5, s4;
	s5 =	ssub.s32 s3, s31  }
0x8: {  	v13 =	vor.u32 $0xB0, v0;
	v14 =	vor.u32 $0xC0, v0;
	v15 =	vor.u32 $0xD0, v0;
	s3 =	sadd.s32 $0x600, s4;
	s4 =	sadd.s32 $0xA00, s4;
	s5 =	smax.u32 s5, $0x1  }
.LBB2_1:
0x9: {  	[tilespmem:s2], [sflag:$0x1] =	stream.linear.gather [hbm4b:s3+s2], $0xE0, $0x38;
	[tilespmem:$0x54E0] =	vst v63  }
0xa: {  	_ =	swait.ge [sflag:s6], $0xE0  }
0xb: {  	[sflag:s6] =	ssyncset.done $0x0  }
0xc: {  	s10 =	simm.s32 $0x0;
	s11 =	simm.s32 $0x380;
	[sflag:s6] =	ssyncadd.s32 $0xFFFFFF20  }
.LBB2_2:
0xd: {  	p0 =	sne.s32 s11, $0x14C80;
	[tilespmem:s10+$0x1B0] =	vst v1  }
0xe: {  	[tilespmem:s10+$0xE0] =	vst v1  }
0xf: {  	[tilespmem:s10+$0xF0] =	vst v1  }
0x10: {  	[tilespmem:s10+$0x100] =	vst v1  }
0x11: {  	[tilespmem:s10+$0x110] =	vst v1  }
0x12: {  	[tilespmem:s10+$0x120] =	vst v1  }
0x13: {  	[tilespmem:s10+$0x130] =	vst v1  }
0x14: {  	[tilespmem:s10+$0x140] =	vst v1  }
0x15: {  	[tilespmem:s10+$0x150] =	vst v1  }
.Ltmp0:
0x16: {  	[tilespmem:s10+$0x160] =	vst v1;
	(pc) =	sbr.rel @p0 .LBB2_2-.Ltmp0, $4  }
0x17: {  	[tilespmem:s10+$0x170] =	vst v1  }
0x18: {  	[tilespmem:s10+$0x180] =	vst v1  }
0x19: {  	[tilespmem:s10+$0x190] =	vst v1  }
0x1a: {  	[tilespmem:s10+$0x1A0] =	vst v1;
	s10 =	sshra.s32 s11, $0x2;
	s11 =	sadd.s32 $0x380, s11  }
0x1b: {  	[tilespmem:s10+$0x1B0] =	vst v1  }
0x1c: {  	[tilespmem:s10+$0xE0] =	vst v1  }
0x1d: {  	[tilespmem:s10+$0xF0] =	vst v1  }
0x1e: {  	[tilespmem:s10+$0x100] =	vst v1  }
0x1f: {  	[tilespmem:s10+$0x110] =	vst v1  }
0x20: {  	[tilespmem:s10+$0x120] =	vst v1  }
0x21: {  	[tilespmem:s10+$0x130] =	vst v1  }
0x22: {  	[tilespmem:s10+$0x140] =	vst v1  }
0x23: {  	[tilespmem:s10+$0x150] =	vst v1  }
0x24: {  	[tilespmem:s10+$0x160] =	vst v1  }
0x25: {  	[tilespmem:s10+$0x170] =	vst v1  }
0x26: {  	[tilespmem:s10+$0x180] =	vst v1  }
0x27: {  	[tilespmem:s10+$0x190] =	vst v1  }
0x28: {  	[tilespmem:s10+$0x1A0] =	vst v1  }
0x29: {  	v16 =	vld [tilespmem:$0x0];
	_ =	sdelay $0x4  }
0x2a: {  	v16 =	vmul.u32 $0xE0, v16;
	_ =	sdelay $0x1  }
0x2b: {  	v16 =	vor.u32 v0, v16;
	_ =	sdelay $0x4  }
0x2c: {  	[tilespmem:v16+s7+$0x0] =	vst.idx.msk $0xffff, v2  }
0x2d: {  	v16 =	vld [tilespmem:$0x10];
	_ =	sdelay $0x4  }
0x2e: {  	v16 =	vmul.u32 $0xE0, v16;
	_ =	sdelay $0x1  }
0x2f: {  	v16 =	vor.u32 v3, v16;
	_ =	sdelay $0x4  }
0x30: {  	[tilespmem:v16+s7+$0x0] =	vst.idx.msk $0xffff, v2  }
0x31: {  	v16 =	vld [tilespmem:$0x20];
	_ =	sdelay $0x4  }
0x32: {  	v16 =	vmul.u32 $0xE0, v16;
	_ =	sdelay $0x1  }
0x33: {  	v16 =	vadd.s32 v4, v16;
	_ =	sdelay $0x4  }
0x34: {  	[tilespmem:v16+s7+$0x0] =	vst.idx.msk $0xffff, v2  }
0x35: {  	v16 =	vld [tilespmem:$0x30];
	_ =	sdelay $0x4  }
0x36: {  	v16 =	vmul.u32 $0xE0, v16;
	_ =	sdelay $0x1  }
0x37: {  	v16 =	vadd.s32 v5, v16;
	_ =	sdelay $0x4  }
0x38: {  	[tilespmem:v16+s7+$0x0] =	vst.idx.msk $0xffff, v2  }
0x39: {  	v16 =	vld [tilespmem:$0x40];
	_ =	sdelay $0x4  }
0x3a: {  	v16 =	vmul.u32 $0xE0, v16;
	_ =	sdelay $0x1  }
0x3b: {  	v16 =	vadd.s32 v6, v16;
	_ =	sdelay $0x4  }
0x3c: {  	[tilespmem:v16+s7+$0x0] =	vst.idx.msk $0xffff, v2  }
0x3d: {  	v16 =	vld [tilespmem:$0x50];
	_ =	sdelay $0x4  }
0x3e: {  	v16 =	vmul.u32 $0xE0, v16;
	_ =	sdelay $0x1  }
0x3f: {  	v16 =	vadd.s32 v7, v16;
	_ =	sdelay $0x4  }
0x40: {  	[tilespmem:v16+s7+$0x0] =	vst.idx.msk $0xffff, v2  }
0x41: {  	v16 =	vld [tilespmem:$0x60];
	_ =	sdelay $0x4  }
0x42: {  	v16 =	vmul.u32 $0xE0, v16;
	_ =	sdelay $0x1  }
0x43: {  	v16 =	vadd.s32 v8, v16;
	_ =	sdelay $0x4  }
0x44: {  	[tilespmem:v16+s7+$0x0] =	vst.idx.msk $0xffff, v2  }
0x45: {  	v16 =	vld [tilespmem:$0x70];
	_ =	sdelay $0x4  }
0x46: {  	v16 =	vmul.u32 $0xE0, v16;
	_ =	sdelay $0x1  }
0x47: {  	v16 =	vadd.s32 v9, v16;
	_ =	sdelay $0x4  }
0x48: {  	[tilespmem:v16+s7+$0x0] =	vst.idx.msk $0xffff, v2  }
0x49: {  	v16 =	vld [tilespmem:$0x80];
	_ =	sdelay $0x4  }
0x4a: {  	v16 =	vmul.u32 $0xE0, v16;
	_ =	sdelay $0x1  }
0x4b: {  	v16 =	vadd.s32 v10, v16;
	_ =	sdelay $0x4  }
0x4c: {  	[tilespmem:v16+s7+$0x0] =	vst.idx.msk $0xffff, v2  }
0x4d: {  	v16 =	vld [tilespmem:$0x90];
	_ =	sdelay $0x4  }
0x4e: {  	v16 =	vmul.u32 $0xE0, v16;
	_ =	sdelay $0x1  }
0x4f: {  	v16 =	vadd.s32 v11, v16;
	_ =	sdelay $0x4  }
0x50: {  	[tilespmem:v16+s7+$0x0] =	vst.idx.msk $0xffff, v2  }
0x51: {  	v16 =	vld [tilespmem:$0xA0];
	_ =	sdelay $0x4  }
0x52: {  	v16 =	vmul.u32 $0xE0, v16;
	_ =	sdelay $0x1  }
0x53: {  	v16 =	vadd.s32 v12, v16;
	_ =	sdelay $0x4  }
0x54: {  	[tilespmem:v16+s7+$0x0] =	vst.idx.msk $0xffff, v2  }
0x55: {  	v16 =	vld [tilespmem:$0xB0];
	_ =	sdelay $0x4  }
0x56: {  	v16 =	vmul.u32 $0xE0, v16;
	_ =	sdelay $0x1  }
0x57: {  	v16 =	vadd.s32 v13, v16;
	_ =	sdelay $0x4  }
0x58: {  	[tilespmem:v16+s7+$0x0] =	vst.idx.msk $0xffff, v2  }
0x59: {  	v16 =	vld [tilespmem:$0xC0];
	_ =	sdelay $0x4  }
0x5a: {  	v16 =	vmul.u32 $0xE0, v16;
	_ =	sdelay $0x1  }
0x5b: {  	v16 =	vadd.s32 v14, v16;
	_ =	sdelay $0x4  }
0x5c: {  	[tilespmem:v16+s7+$0x0] =	vst.idx.msk $0xffff, v2  }
0x5d: {  	v16 =	vld [tilespmem:$0xD0];
	_ =	sdelay $0x4  }
0x5e: {  	v16 =	vmul.u32 $0xE0, v16;
	_ =	sdelay $0x1  }
0x5f: {  	v16 =	vadd.s32 v15, v16;
	_ =	sdelay $0x2  }
0x60: {  	s9 =	sadd.s32 $0x1, s9  }
0x61: {  	p0 =	sne.s32 s9, s5  }
.Ltmp1:
0x62: {  	[tilespmem:v16+s7+$0x0] =	vst.idx.msk $0xffff, v2;
	(pc) =	sbr.rel @p0 .LBB2_1-.Ltmp1, $4  }
0x63: {  	[hbm4b:s4+s7] =	stream.strided.scatter [tilespmem:s7], [sflag:$0x1], $0x5400, s8, s7, $0x38;
	[tilespmem:$0x54E0] =	vst v63  }
0x64: {  	_ =	swait.ge [sflag:s6], $0x5400  }
0x65: {  	[sflag:s6] =	ssyncset.done $0x0  }
0x66: {  	[sflag:s6] =	ssyncadd.s32 $0xFFFFAC00  }
0x67: {  	_ =	sfence.sel $0x180000  }
0x68: {  	[bflag:$0x0] =	sbarrier.arrive $0xFFFF  }
0x69: {  	p0 =	sne.s32 s0, $0x0;
	_ =	strace $0x90000047  }
0x6a: {  	s0 =	sadd.s32 @!p0 $0x100000, s1;
	[bflag:$0x2] =	sbarrier.arrive $0xFFFF  }
0x6b: {  	[sflag:s0] =	ssyncadd.tile.s32 @!p0 $0x1;
	_ =	shalt  }
.Lfunc_end2:
_tile_overlayer_lowered:
.L_overlay_start_2:
0x6c: {  	(tag) =	ssettag $0x2  }
0x6d: {  	s0 =	rddreg [dreg:$0x0];
	s2 =	stileid.u32  }
0x6e: {  	s1 =	rddreg [dreg:$0x1];
	p0 =	sne.s32 s2, $0x0  }
0x6f: {  	s3 =	rddreg [dreg:$0x2];
	[bflag:$0x3] =	sbarrier.arrive $0xFFFF;
	s2 =	simm.s32 @!p0 $0x1C01  }
0x70: {  	[timem:s3], [sflag:s2] =	dma.local @!p0 [hbm:s0], s1  }
0x71: {  	s0 =	simm.s32 @!p0 $0x1  }
0x72: {  	_ =	swait.ge @!p0 [sflag:s0], s1  }
0x73: {  	s1 =	ssub.s32 @!p0 $0x0, s1;
	[sflag:s0] =	ssyncset.done @!p0 $0x0  }
0x74: {  	[sflag:s0] =	ssyncadd.s32 @!p0 s1  }
0x75: {  	[bflag:$0x3] =	sbarrier.arrive $0xFFFF  }
0x76: {  	_ =	shalt  }

</sc_bundles>
